<compile_context>
chip_gen: v7x
topology: tpu7x:2x2x1
jax: 0.10.2.dev20260603
libtpu: 0.0.44.dev20260713+nightly
codegen_flags: <defaults>
</compile_context>

<pallas_src>
import functools

import jax
import jax.numpy as jnp
from jax import lax
from jax.experimental import pallas as pl
from jax.experimental.pallas import tpu as pltpu
from jax.experimental.pallas import tpu_sc as plsc

_EMBED_DIM = 256
_IMG = 1024


def _sc_gather_fn(n_pad):
    info = plsc.get_sparse_core_info()
    NC, NS = info.num_cores, info.num_subcores
    nw = NC * NS
    per_w = n_pad // nw
    D = _EMBED_DIM
    mesh = plsc.VectorSubcoreMesh(core_axis_name="c", subcore_axis_name="s")

    @functools.partial(
        pl.kernel,
        mesh=mesh,
        out_type=jax.ShapeDtypeStruct((n_pad, D), jnp.float32),
        scratch_types=[
            pltpu.VMEM((per_w,), jnp.int32),
            pltpu.VMEM((per_w, D), jnp.float32),
            pltpu.SemaphoreType.DMA,
        ],
    )
    def gather(table_hbm, idx_hbm, out_hbm, idx_v, rows_v, sem):
        wid = lax.axis_index("s") * NC + lax.axis_index("c")
        base = wid * per_w
        del base

    return gather


def _pe_add_body(x_ref, emb_ref, f2_ref, ph_ref, sparse_ref):
    D = _EMBED_DIM
    x = x_ref[...]
    f2 = f2_ref[...].reshape(1, 1, D)
    ph = ph_ref[...].reshape(1, 1, D)
    sparse_ref[...] = jnp.sin(x[:, :, None] * f2 + ph) + emb_ref[...]


def _dense_body(nm_ref, dense_ref):
    dense_ref[...] = jnp.broadcast_to(nm_ref[...], dense_ref.shape)


def kernel(coords, labels, point_embed_bg, point_embed_fg, no_mask_embed):
    B, N, _ = coords.shape
    D = _EMBED_DIM
    HW = _IMG // 4

    x = coords[:, :, 0]
    table = jnp.concatenate([point_embed_bg, point_embed_fg], axis=0)
    idx = jnp.minimum(labels, 1).astype(jnp.int32).reshape(-1)
    n_pad = 1024
    idx = jnp.pad(idx, (0, n_pad - idx.shape[0]))

    emb_flat = _sc_gather_fn(n_pad)(table, idx)
    emb = emb_flat[: B * N].reshape(B, N, D)

    half = D // 2
    f = (2.0 ** (jnp.arange(half, dtype=jnp.float32) / half)) * jnp.pi
    f2 = jnp.repeat(f, 2).reshape(1, D)
    ph = jnp.tile(jnp.array([0.0, jnp.pi / 2], dtype=jnp.float32),
                  half).reshape(1, D)
    nm = no_mask_embed.reshape(1, D, 1, 1)

    H_BLK = 32
    dense = pl.pallas_call(
        _dense_body,
        grid=(B, HW // H_BLK),
        in_specs=[pl.BlockSpec((1, D, 1, 1), lambda b, h: (0, 0, 0, 0))],
        out_specs=pl.BlockSpec((1, D, H_BLK, HW), lambda b, h: (b, 0, h, 0)),
        out_shape=jax.ShapeDtypeStruct((B, D, HW, HW), jnp.float32),
    )(nm)

    sparse = pl.pallas_call(
        _pe_add_body,
        in_specs=[
            pl.BlockSpec((B, N), lambda: (0, 0)),
            pl.BlockSpec((B, N, D), lambda: (0, 0, 0)),
            pl.BlockSpec((1, D), lambda: (0, 0)),
            pl.BlockSpec((1, D), lambda: (0, 0)),
        ],
        out_specs=pl.BlockSpec((B, N, D), lambda: (0, 0, 0)),
        out_shape=jax.ShapeDtypeStruct((B, N, D), jnp.float32),
    )(x, emb, f2, ph)
    return (sparse, dense)

# --- scband reference (transcript-rebuilt; emitter-appended) ---
"""Pipeline reference for scband-prompt-encoder-46729244181088 (READ-ONLY COPY).

The authoritative reference and input builder live on the scoring server;
editing this copy changes nothing except your own understanding.
"""

import jax, jax.numpy as jnp
import numpy as np

EMBED_DIM = 256
IMG = 1024
B = 4
N = 200


def setup_inputs(seed: int = 0) -> dict:
    key = jax.random.key(seed)
    k1, k2, k3, k4, k5 = jax.random.split(key, 5)
    coords = jax.random.uniform(k1, (B, N, 2), dtype=jnp.float32)
    labels = jax.random.randint(k2, (B, N), 0, 2)
    point_embed_bg = jax.random.normal(k3, (1, EMBED_DIM), dtype=jnp.float32)
    point_embed_fg = jax.random.normal(k4, (1, EMBED_DIM), dtype=jnp.float32)
    no_mask_embed = jax.random.normal(k5, (1, EMBED_DIM), dtype=jnp.float32)
    return {
        "coords": coords,
        "labels": labels,
        "point_embed_bg": point_embed_bg,
        "point_embed_fg": point_embed_fg,
        "no_mask_embed": no_mask_embed,
    }


def _pos_encode(coords, embed_dim):
    Bc, Nc, _ = coords.shape
    half = embed_dim // 2
    freqs = 2.0 ** (jnp.arange(half, dtype=jnp.float32) / half) * jnp.pi
    args = coords[..., None] * freqs.reshape(1, 1, 1, -1)
    sin_part = jnp.sin(args)
    cos_part = jnp.cos(args)
    encoded = jnp.stack([sin_part, cos_part], axis=-1)
    encoded = encoded.reshape(Bc, Nc, 2, embed_dim)
    x_encoded = encoded[:, :, 0, :]
    y_encoded = encoded[:, :, 1, :]
    output = jnp.concatenate([x_encoded, y_encoded], axis=-1)
    return output[:, :, :embed_dim]


def reference(coords, labels, point_embed_bg, point_embed_fg, no_mask_embed):
    Bc, Nc, _ = coords.shape
    pe = _pos_encode(coords, EMBED_DIM)
    # point label embedding lookup: table row 0 = background, row 1 = foreground
    table = jnp.concatenate([point_embed_bg, point_embed_fg], axis=0)  # [2, D]
    idx = jnp.minimum(labels, 1)
    label_embeddings = jnp.take(table, idx, axis=0)  # [B, N, D]
    sparse_embeddings = pe + label_embeddings
    # no masks provided -> dense embedding is no_mask_embed broadcast
    dense_embeddings = jnp.broadcast_to(
        no_mask_embed.reshape(1, EMBED_DIM, 1, 1),
        (Bc, EMBED_DIM, IMG // 4, IMG // 4),
    )
    return (sparse_embeddings, dense_embeddings)

if __name__ == "__main__":
    import jax
    _d = setup_inputs()
    print(jax.jit(kernel)(*tuple(_d.values())))

</pallas_src>

<mosaic_0001>
#map = affine_map<(d0, d1) -> (0, 0)>
#map1 = affine_map<(d0, d1) -> (0)>
module attributes {stable_mosaic.version = 14 : i64} {
  func.func @gather(%arg0: i32, %arg1: i32, %arg2: memref<2x256xf32, #tpu.memory_space<hbm>>, %arg3: memref<1024xi32, #tpu.memory_space<hbm>>, %arg4: memref<1024x256xf32, #tpu.memory_space<hbm>>, %arg5: memref<32xi32, #tpu.memory_space<vmem>>, %arg6: memref<32x256xf32, #tpu.memory_space<vmem>>, %arg7: memref<!tpu.dma_semaphore, #tpu.memory_space<semaphore_mem>>) attributes {dimension_semantics = [#tpu.dimension_semantics<core_parallel>, #tpu.dimension_semantics<subcore_parallel>], iteration_bounds = array<i64: 2, 16>, scalar_prefetch = 0 : i64, scratch_operands = 3 : i64, tpu.core_type = #tpu.core_type<sc_vector_subcore>, window_params = [{transform_indices = #map}, {transform_indices = #map1}, {transform_indices = #map}]} {
    %mul3A = arith.constant 2 : i32
    %mul3A_0 = arith.muli %arg1, %mul3A : i32
    %add3A = arith.addi %mul3A_0, %arg0 : i32
    %mul3A_1 = arith.constant 32 : i32
    %mul3A_2 = arith.muli %add3A, %mul3A_1 : i32
    return
  }
}

module attributes {stable_mosaic.version = 14 : i64} {
  func.func @_dense_body(%arg0: i32, %arg1: i32, %arg2: memref<1x256x1x1xf32, #tpu.memory_space<vmem>>, %arg3: memref<1x256x32x256xf32, #tpu.memory_space<vmem>>) attributes {dimension_semantics = [#tpu.dimension_semantics<arbitrary>, #tpu.dimension_semantics<arbitrary>], iteration_bounds = array<i64: 4, 8>, scalar_prefetch = 0 : i64, scratch_operands = 0 : i64, tpu.core_type = #tpu.core_type<tc>, window_params = [{pipeline_mode = #tpu.pipeline_mode<synchronous>, transform_indices = @transform_0, window_bounds = array<i64: 1, 256, 1, 1>}, {transform_indices = @transform_1, window_bounds = array<i64: 1, 256, 32, 256>}]} {
    %get3A = arith.constant 0 : index
    %get3A_0 = arith.constant 0 : index
    %get3A_1 = arith.constant 0 : index
    %get3A_2 = arith.constant 0 : index
    %get3A_3 = vector.load %arg2[%get3A, %get3A_0, %get3A_1, %get3A_2] : memref<1x256x1x1xf32, #tpu.memory_space<vmem>>, vector<1x256x1x1xf32>
    %broadcast_in_dim3A = vector.shape_cast %get3A_3 : vector<1x256x1x1xf32> to vector<1x256x1x1xf32>
    %broadcast_in_dim3A_4 = vector.broadcast %broadcast_in_dim3A : vector<1x256x1x1xf32> to vector<1x256x32x256xf32>
    %swap3A = arith.constant 0 : index
    %swap3A_5 = arith.constant 0 : index
    %swap3A_6 = arith.constant 0 : index
    %swap3A_7 = arith.constant 0 : index
    %swap3A_8 = vector.load %arg3[%swap3A, %swap3A_5, %swap3A_6, %swap3A_7] : memref<1x256x32x256xf32, #tpu.memory_space<vmem>>, vector<1x256x32x256xf32>
    tpu.vector_store %arg3[%swap3A, %swap3A_5, %swap3A_6, %swap3A_7], %broadcast_in_dim3A_4 {strides = array<i32>} : memref<1x256x32x256xf32, #tpu.memory_space<vmem>>, vector<1x256x32x256xf32>,
    return
  }
  func.func @transform_0(%arg0: i32, %arg1: i32) -> (i32, i32, i32, i32) {
    %c0_i32 = arith.constant 0 : i32
    %c0_i32_0 = arith.constant 0 : i32
    %c0_i32_1 = arith.constant 0 : i32
    %c0_i32_2 = arith.constant 0 : i32
    %c0_i32_3 = arith.constant 0 : i32
    return %c0_i32, %c0_i32_0, %c0_i32_1, %c0_i32_2 : i32, i32, i32, i32
  }
  func.func @transform_1(%arg0: i32, %arg1: i32) -> (i32, i32, i32, i32) {
    %c0_i32 = arith.constant 0 : i32
    %c0_i32_0 = arith.constant 0 : i32
    %c0_i32_1 = arith.constant 0 : i32
    return %arg0, %c0_i32, %arg1, %c0_i32_0 : i32, i32, i32, i32
  }
}

module attributes {stable_mosaic.version = 14 : i64} {
  func.func @_pe_add_body(%arg0: memref<4x200xf32, #tpu.memory_space<vmem>>, %arg1: memref<4x200x256xf32, #tpu.memory_space<vmem>>, %arg2: memref<1x256xf32, #tpu.memory_space<vmem>>, %arg3: memref<1x256xf32, #tpu.memory_space<vmem>>, %arg4: memref<4x200x256xf32, #tpu.memory_space<vmem>>) attributes {dimension_semantics = [], scalar_prefetch = 0 : i64, scratch_operands = 0 : i64, tpu.core_type = #tpu.core_type<tc>} {
    %get3A = arith.constant 0 : index
    %get3A_0 = arith.constant 0 : index
    %get3A_1 = vector.load %arg0[%get3A, %get3A_0] : memref<4x200xf32, #tpu.memory_space<vmem>>, vector<4x200xf32>
    %get3A_2 = arith.constant 0 : index
    %get3A_3 = arith.constant 0 : index
    %get3A_4 = vector.load %arg2[%get3A_2, %get3A_3] : memref<1x256xf32, #tpu.memory_space<vmem>>, vector<1x256xf32>
    %reshape3A = vector.shape_cast %get3A_4 : vector<1x256xf32> to vector<1x1x256xf32>
    %get3A_5 = arith.constant 0 : index
    %get3A_6 = arith.constant 0 : index
    %get3A_7 = vector.load %arg3[%get3A_5, %get3A_6] : memref<1x256xf32, #tpu.memory_space<vmem>>, vector<1x256xf32>
    %reshape3A_8 = vector.shape_cast %get3A_7 : vector<1x256xf32> to vector<1x1x256xf32>
    %broadcast_in_dim3A = vector.shape_cast %get3A_1 : vector<4x200xf32> to vector<4x200x1xf32>
    %mul3A = vector.broadcast %broadcast_in_dim3A : vector<4x200x1xf32> to vector<4x200x256xf32>
    %mul3A_9 = vector.broadcast %reshape3A : vector<1x1x256xf32> to vector<4x200x256xf32>
    %mul3A_10 = arith.mulf %mul3A, %mul3A_9 : vector<4x200x256xf32>
    %add3A = vector.broadcast %reshape3A_8 : vector<1x1x256xf32> to vector<4x200x256xf32>
    %add3A_11 = arith.addf %mul3A_10, %add3A : vector<4x200x256xf32>
    %sin3A = math.sin %add3A_11 : vector<4x200x256xf32>
    %get3A_12 = arith.constant 0 : index
    %get3A_13 = arith.constant 0 : index
    %get3A_14 = arith.constant 0 : index
    %get3A_15 = vector.load %arg1[%get3A_12, %get3A_13, %get3A_14] : memref<4x200x256xf32, #tpu.memory_space<vmem>>, vector<4x200x256xf32>
    %add3A_16 = arith.addf %sin3A, %get3A_15 : vector<4x200x256xf32>
    %swap3A = arith.constant 0 : index
    %swap3A_17 = arith.constant 0 : index
    %swap3A_18 = arith.constant 0 : index
    %swap3A_19 = vector.load %arg4[%swap3A, %swap3A_17, %swap3A_18] : memref<4x200x256xf32, #tpu.memory_space<vmem>>, vector<4x200x256xf32>
    tpu.vector_store %arg4[%swap3A, %swap3A_17, %swap3A_18], %add3A_16 {strides = array<i32>} : memref<4x200x256xf32, #tpu.memory_space<vmem>>, vector<4x200x256xf32>,
    return
  }
}

</mosaic_0001>

<sc_bundles>
// kernel: kernel.5.cloned.1.call-start
scs
__scs_entry_jumppad:
0x0: {  	(pc) =	sbr.rel $0x88, $3  }
0x1: {  	(tag) =	ssettag $0x0;
	lr =	simm.s32 $0x1  }
0x2: {  	[smem:$0x3F9C] =	sst lr;
	_ =	strace $0xD0000000  }
0x3: {  	_ = 	snop  }
0x4: {  	_ = 	snop  }
0x5: {  	_ = 	snop  }
0x6: {  	_ = 	snop  }
0x7: {  	_ = 	snop  }
__scs_overlays_trampoline_lowered:
0x8: {  	[smem:$0x3FAB] =	sst s0  }
0x9: {  	[smem:$0x3FAC] =	sst s1  }
0xa: {  	[smem:$0x3FAD] =	sst s2  }
0xb: {  	[smem:$0x3FAE] =	sst s3  }
0xc: {  	[smem:$0x3FAF] =	sst s4  }
0xd: {  	[smem:$0x3FB0] =	sst s5  }
0xe: {  	[smem:$0x3FB1] =	sst s6  }
0xf: {  	[smem:$0x3FB2] =	sst s7  }
0x10: {  	[smem:$0x3FB3] =	sst s8  }
0x11: {  	[smem:$0x3FB4] =	sst s9;
	s0 =	simm.s32 @!p0 $0x0  }
0x12: {  	s1 =	sld [smem:$0x3F9A];
	s0 =	simm.s32 @p0 $0x1  }
0x13: {  	[smem:$0x3FB5] =	sst s0;
	s0 =	simm.s32 @!p1 $0x0  }
0x14: {  	s2 =	sld [smem:$0x3F99];
	s0 =	simm.s32 @p1 $0x1  }
0x15: {  	[smem:$0x3FB6] =	sst s0;
	s0 =	simm.s32 @!p2 $0x0  }
0x16: {  	s3 =	sld [smem:$0x3FDB];
	s0 =	simm.s32 @p2 $0x1  }
0x17: {  	s4 =	simm.s32 $0x1BF5;
	[smem:$0x3FB8] =	sst s0  }
0x18: {  	s0 =	sld [smem:$0x3F9B];
	_ =	swait.ge [sflag:s4], $0x0  }
0x19: {  	s7 =	sld [smem:$0x3F9C]  }
0x1a: {  	s8 =	sadd.s32 $0xFFFFE003, lr  }
0x1b: {  	s9 =	sadd.s32 $0xFFFFFEF7, lr;
	s5 =	simm.s32 $0xFFFFFFFF;
	p2 =	slt.u32 s8, $0xFFFFF086  }
0x1c: {  	p1 =	slt.u32 s9, $0xF7A;
	s5 =	simm.s32 @!p2 $0x0  }
0x1d: {  	s5 =	simm.s32 @p1 $0x1;
	p0 =	seq.s32 s7, s2  }
0x1e: {  	s7 =	smul.u32 @!p0 $0xF7A, s2;
	p2 =	seq.s32 @!p0 s5, $0x0  }
0x1f: {  	s9 =	smul.u32 $0xF7A, s1;
	s8 =	simm.s32 @!p0 $0x1BF5;
	p2 =	por !p2, p0  }
0x20: {  	[sflag:s8] =	ssyncset.s32 @!p0 $0xFFFFF086;
	s6 =	sadd.s32 @!p0 s3, s7;
	s7 =	simm.s32 @!p0 $0x108  }
0x21: {  	s3 =	sadd.s32 s3, s9;
	s6 =	sadd.s32 @!p0 $0x88, s6;
	s7 =	simm.s32 @p2 $0x1082  }
0x22: {  	[simem:s7], [sflag:s8] =	dma.local @!p0 [hbm:s6], $0xF7A  }
0x23: {  	s9 =	sor.u32 $0xD0000000, s2;
	s6 =	simm.s32 $0x108;
	_ =	swait.ge @!p0 [sflag:s8], $0x0  }
0x24: {  	s3 =	sadd.s32 $0x88, s3;
	s6 =	simm.s32 @!p1 $0x1082;
	[sflag:s4] =	ssyncset.s32 $0xFFFFF086  }
0x25: {  	[simem:s6], [sflag:s4] =	dma.local [hbm:s3], $0xF7A  }
0x26: {  	[smem:$0x3F9C] =	sst s1;
	(tag) =	ssettag s2;
	_ =	strace s9  }
0x27: {  	s1 =	sld [smem:$0x3FAC]  }
0x28: {  	s2 =	sld [smem:$0x3FAD]  }
0x29: {  	s4 =	sld [smem:$0x3FAF]  }
0x2a: {  	p0 =	seq.s32 s5, $0x0;
	s5 =	sld [smem:$0x3FB0]  }
0x2b: {  	s6 =	sld [smem:$0x3FB1]  }
0x2c: {  	s7 =	sld [smem:$0x3FB2]  }
0x2d: {  	s3 =	simm.s32 $0x108;
	s8 =	sld [smem:$0x3FB3]  }
0x2e: {  	s3 =	simm.s32 @!p0 $0x1082;
	s9 =	sld [smem:$0x3FB4]  }
0x2f: {  	lr =	sadd.s32 s0, s3;
	s0 =	sld [smem:$0x3FAB]  }
0x30: {  	s3 =	sld [smem:$0x3FAE]  }
0x31: {  	[smem:$0x3FB7] =	sst s10  }
0x32: {  	s10 =	sld [smem:$0x3FB5];
	_ =	sdelay $0x3  }
0x33: {  	p0 =	seq.s32 s10, $0x1;
	s10 =	sld [smem:$0x3FB7];
	_ =	sdelay $0x3  }
0x34: {  	[smem:$0x3FB7] =	sst s10  }
0x35: {  	s10 =	sld [smem:$0x3FB6];
	_ =	sdelay $0x3  }
0x36: {  	p1 =	seq.s32 s10, $0x1;
	s10 =	sld [smem:$0x3FB7];
	_ =	sdelay $0x3  }
0x37: {  	[smem:$0x3FB7] =	sst s10  }
0x38: {  	s10 =	sld [smem:$0x3FB8]  }
0x39: {  	_ = 	snop;
	(pc) =	sbr.ind lr, $3  }
0x3a: {  	_ = 	snop  }
0x3b: {  	_ = 	snop  }
0x3c: {  	p2 =	seq.s32 s10, $0x1;
	s10 =	sld [smem:$0x3FB7]  }
0x3d: {  	_ =	shalt  }
0x3e: {  	_ =	shalt  }
0x3f: {  	_ =	shalt  }
0x40: {  	_ =	shalt  }
0x41: {  	_ =	shalt  }
0x42: {  	_ =	shalt  }
0x43: {  	_ =	shalt  }
0x44: {  	_ =	shalt  }
0x45: {  	_ =	shalt  }
0x46: {  	_ =	shalt  }
0x47: {  	_ =	shalt  }
0x48: {  	_ =	shalt  }
0x49: {  	_ =	shalt  }
0x4a: {  	_ =	shalt  }
0x4b: {  	_ =	shalt  }
0x4c: {  	_ =	shalt  }
0x4d: {  	_ =	shalt  }
0x4e: {  	_ =	shalt  }
0x4f: {  	_ =	shalt  }
0x50: {  	_ =	shalt  }
0x51: {  	_ =	shalt  }
0x52: {  	_ =	shalt  }
0x53: {  	_ =	shalt  }
0x54: {  	_ =	shalt  }
0x55: {  	_ =	shalt  }
0x56: {  	_ =	shalt  }
0x57: {  	_ =	shalt  }
0x58: {  	_ =	shalt  }
0x59: {  	_ =	shalt  }
0x5a: {  	_ =	shalt  }
0x5b: {  	_ =	shalt  }
0x5c: {  	_ =	shalt  }
0x5d: {  	_ =	shalt  }
0x5e: {  	_ =	shalt  }
0x5f: {  	_ =	shalt  }
0x60: {  	_ =	shalt  }
0x61: {  	_ =	shalt  }
0x62: {  	_ =	shalt  }
0x63: {  	_ =	shalt  }
0x64: {  	_ =	shalt  }
0x65: {  	_ =	shalt  }
0x66: {  	_ =	shalt  }
0x67: {  	_ =	shalt  }
0x68: {  	_ =	shalt  }
0x69: {  	_ =	shalt  }
0x6a: {  	_ =	shalt  }
0x6b: {  	_ =	shalt  }
0x6c: {  	_ =	shalt  }
0x6d: {  	_ =	shalt  }
0x6e: {  	_ =	shalt  }
0x6f: {  	_ =	shalt  }
0x70: {  	_ =	shalt  }
0x71: {  	_ =	shalt  }
0x72: {  	_ =	shalt  }
0x73: {  	_ =	shalt  }
0x74: {  	_ =	shalt  }
0x75: {  	_ =	shalt  }
0x76: {  	_ =	shalt  }
0x77: {  	_ =	shalt  }
0x78: {  	_ =	shalt  }
0x79: {  	_ =	shalt  }
0x7a: {  	_ =	shalt  }
0x7b: {  	_ =	shalt  }
0x7c: {  	_ =	shalt  }
0x7d: {  	_ =	shalt  }
0x7e: {  	_ =	shalt  }
0x7f: {  	_ =	shalt  }
0x80: {  	_ =	shalt  }
0x81: {  	_ =	shalt  }
0x82: {  	_ =	shalt  }
0x83: {  	_ =	shalt  }
0x84: {  	_ =	shalt  }
0x85: {  	_ =	shalt  }
0x86: {  	_ =	shalt  }
0x87: {  	_ =	shalt  }
.Lfunc_end0:
.L_simem_size_0:
called_computation_lowered:
.L_overlay_start_0:
0x88: {  	s1 =	sld [smem:$0x3FD9]  }
0x89: {  	s2 =	sld [smem:$0x3FFE];
	_ =	sdelay $0x1  }
0x8a: {  	s3 =	srdreg.scid  }
0x8b: {  	s0 =	sand.u32 $0x1, s3  }
0x8c: {  	s17 =	sshll.u32 s0, $0xA;
	s1 =	sadd.s32 s2, s1  }
0x8d: {  	s1 =	sadd.s32 s1, s17  }
0x8e: {  	[smem:$0x3FC3] =	sst s1  }
0x8f: {  	_ = 	snop  }
0x90: {  	(tm) =	ssettm $0x1  }
0x91: {  	s18 =	sld [smem:$0x3FFB];
	_ =	sdelay $0x3  }
0x92: {  	_ =	strace s18  }
0x93: {  	s1 =	sld [smem:$0x3FFC];
	_ =	sdelay $0x3  }
0x94: {  	_ =	strace s1  }
0x95: {  	s1 =	sld [smem:$0x3FFD];
	_ =	sdelay $0x3  }
0x96: {  	_ =	strace s1  }
0x97: {  	_ =	strace $0x8FFFFFFF  }
0x98: {  	s19 =	sld [smem:$0x3FDB];
	_ =	sdelay $0x1  }
0x99: {  	s20 =	simm.s32 $_scs_section_size  }
0x9a: {  	s4 =	simm.s32 $_size__tile_overlayer_lowered;
	s5 =	simm.s32 $_tile_overlayer_lowered  }
0x9b: {  	s23 =	simm.s32 $0x1BFF;
	s22 =	sshll.u32 s5, $0x1;
	s1 =	sadd.s32 s20, s19  }
0x9c: {  	s6 =	simm.s32 $0x0;
	s21 =	sshll.u32 s4, $0x1;
	s4 =	sadd.s32 s22, s1  }
0x9d: {  	[timem:s6], [sflag:s23] =	dma.local [hbm:s4], s21  }
0x9e: {  	_ =	swait.ge [sflag:s23], s21  }
0x9f: {  	s2 =	ssub.s32 $0x0, s21;
	[sflag:s23] =	ssyncset.done $0x0  }
0xa0: {  	[sflag:s23] =	ssyncadd.s32 s2;
	_ =	sdelay $0x1  }
0xa1: {  	s24 =	simm.s32 $0x1B8B  }
0xa2: {  	_ =	swait.ge [sflag:s24], $0x1  }
0xa3: {  	[sflag:s24] =	ssyncset.done $0x0  }
0xa4: {  	s25 =	simm.s32 $0x1B8E;
	[sflag:s24] =	ssyncadd.s32 $0xFFFFFFFF  }
0xa5: {  	s26 =	simm.s32 $execute0_lowered;
	[smem:$0x3FD2] =	sst s25  }
0xa6: {  	s2 =	sshll.u32 s26, $0x1;
	_ =	strace $0x80000046;
	[dreg:$0x1] =	wrdreg $0xFFFFFFFF  }
0xa7: {  	s28 =	simm.s32 $_size_execute0_lowered;
	s1 =	sadd.s32 s1, s2;
	[dreg:$0x0] =	wrdreg $0x0  }
0xa8: {  	s2 =	sshll.u32 s28, $0x1;
	[dreg:$0x2] =	wrdreg s1  }
0xa9: {  	[dreg:$0x3] =	wrdreg s2  }
0xaa: {  	[dreg:$0x4] =	wrdreg $0xC0  }
0xab: {  	_ =	task [dreg:s6], $0x5FFFF  }
0xac: {  	[dreg:$0x1] =	wrdreg $0xFFFFFFFF  }
0xad: {  	[dreg:$0x0] =	wrdreg $0x60  }
0xae: {  	[dreg:$0x2] =	wrdreg $0x9  }
0xaf: {  	_ =	task.clear_ibuf [dreg:s6], $0x3FFFF;
	_ =	strace $0x90000046  }
0xb0: {  	s29 =	simm.s32 $0x9;
	_ =	strace $0x80000048  }
0xb1: {  	_ =	swait.ge [sflag:s29], $0x1  }
0xb2: {  	[sflag:s29] =	ssyncadd.s32 $0xFFFFFFFF  }
0xb3: {  	_ =	strace $0x90000048  }
0xb4: {  	_ =	sfence  }
0xb5: {  	s30 =	sld [smem:$0x0];
	_ =	sdelay $0x2  }
0xb6: {  	s31 =	sshll.u32 s3, $0xD;
	s3 =	sshrl.u32 s3, $0x2  }
0xb7: {  	s2 =	sand.u32 $0x4000, s31;
	s1 =	sadd.s32 s3, s30  }
0xb8: {  	s0 =	sor.u32 s2, s0;
	s1 =	sshll.u32 s1, $0x11  }
0xb9: {  	s0 =	sor.u32 s1, s0  }
0xba: {  	s0 =	sadd.s32 $0x8F2B, s0  }
0xbb: {  	[sflag:s0] =	ssyncadd.remote.s32 $0x1  }
0xbc: {  	_ =	sfence.sel $0xFFFF  }
0xbd: {  	[dreg:$0x0] =	wrdreg $0xFFFFFFFF;
	(pc) =	sbr.abs _section_cstart, $3  }
0xbe: {  	[dreg:$0x1] =	wrdreg $0xFFFFFFFF  }
0xbf: {  	_ =	task.clear_ibuf [dreg:s6], $0x2FFFF;
	_ =	strace $0x9FFFFFFF  }
0xc0: {  	(tm) =	ssettm $0x7FFFFFFF  }
0xc1: {  	_ =	shalt  }
tec
execute0_lowered:
.L_overlay_start_1:
0x0: {  	(tag) =	ssettag $0x1  }
0x1: {  	s0 =	rddreg [dreg:$0x0];
	_ =	strace $0x80000047  }
0x2: {  	_ =	sfence.sel $0x180000  }
0x3: {  	s1 =	stileid.u32;
	[bflag:$0x0] =	sbarrier.arrive $0xFFFF  }
0x4: {  	p0 =	sne.s32 s1, $0x0;
	_ =	strace $0x90000047  }
0x5: {  	s0 =	sadd.s32 @!p0 $0x100000, s0;
	[bflag:$0x2] =	sbarrier.arrive $0xFFFF  }
0x6: {  	[sflag:s0] =	ssyncadd.tile.s32 @!p0 $0x1;
	_ =	shalt  }
.Lfunc_end2:
_tile_overlayer_lowered:
.L_overlay_start_2:
0x7: {  	(tag) =	ssettag $0x2  }
0x8: {  	s0 =	rddreg [dreg:$0x0];
	s2 =	stileid.u32  }
0x9: {  	s1 =	rddreg [dreg:$0x1];
	p0 =	sne.s32 s2, $0x0  }
0xa: {  	s3 =	rddreg [dreg:$0x2];
	[bflag:$0x3] =	sbarrier.arrive $0xFFFF;
	s2 =	simm.s32 @!p0 $0x1C01  }
0xb: {  	[timem:s3], [sflag:s2] =	dma.local @!p0 [hbm:s0], s1  }
0xc: {  	s0 =	simm.s32 @!p0 $0x1  }
0xd: {  	_ =	swait.ge @!p0 [sflag:s0], s1  }
0xe: {  	s1 =	ssub.s32 @!p0 $0x0, s1;
	[sflag:s0] =	ssyncset.done @!p0 $0x0  }
0xf: {  	[sflag:s0] =	ssyncadd.s32 @!p0 s1  }
0x10: {  	[bflag:$0x3] =	sbarrier.arrive $0xFFFF  }
0x11: {  	_ =	shalt  }

</sc_bundles>
